<compile_context>
chip_gen: v7x
topology: tpu7x:2x2x1
jax: 0.10.2.dev20260603
libtpu: 0.0.44.dev20260713+nightly
codegen_flags: <defaults>
</compile_context>

<pallas_src>
import functools

import numpy as np

import jax
import jax.numpy as jnp
from jax.experimental import pallas as pl
from jax.experimental.pallas import tpu as pltpu

_SOM_H = 32
_SOM_W = 32
_NUM_EMB = _SOM_H * _SOM_W
_EMB_DIM = 256
_ALPHA = 6.0
_BETA = 1.0
_B = 2
_D = 8
_N_ROWS = _B * _D * _SOM_H * _SOM_W
_BLK = 2048
_GRID = _N_ROWS // _BLK


def _build_adj() -> np.ndarray:
    k = _NUM_EMB
    a = np.zeros((k, k), dtype=np.float32)
    for idx in range(k):
        i, j = divmod(idx, _SOM_W)
        a[idx, idx] = 1.0
        if i - 1 >= 0:
            a[idx, (i - 1) * _SOM_W + j] = 1.0
        if i + 1 < _SOM_H:
            a[idx, (i + 1) * _SOM_W + j] = 1.0
        if j - 1 >= 0:
            a[idx, i * _SOM_W + (j - 1)] = 1.0
        if j + 1 < _SOM_W:
            a[idx, i * _SOM_W + (j + 1)] = 1.0
    return a


_ADJ_NP = _build_adj()
_EYE_NP = np.eye(_NUM_EMB, dtype=np.float32)


def _body(x_ref, e_ref, adj_ref, q_ref, idx_ref, acc_ref):
    g = pl.program_id(0)
    x = x_ref[...]
    e = e_ref[...]

    e_bf = e.astype(jnp.bfloat16)
    x_bf = x.astype(jnp.bfloat16)
    dot = jax.lax.dot_general(x_bf, e_bf, (((1,), (1,)), ((), ())),
                              preferred_element_type=jnp.float32)
    x2 = jnp.sum(x * x, axis=1, keepdims=True)
    e2 = jnp.sum(e * e, axis=1).reshape(1, _NUM_EMB)
    dist = (x2 + e2) - 2.0 * dot

    minv = jnp.min(dist, axis=1, keepdims=True)
    j_iota = jax.lax.broadcasted_iota(jnp.int32, (_BLK, _NUM_EMB), 1)
    idx = jnp.min(jnp.where(dist == minv, j_iota, _NUM_EMB),
                  axis=1, keepdims=True)

    onehot = (j_iota == idx).astype(jnp.bfloat16)
    idx_ref[...] = idx

    q = jax.lax.dot_general(onehot, e_bf, (((1,), (0,)), ((), ())),
                            preferred_element_type=jnp.float32)
    q_ref[...] = q

    som_num = jnp.float32(0.0)
    som_den = jnp.float32(0.0)
    for jb in range(_NUM_EMB // 128):
        j0 = jb * 128
        k0 = max(0, j0 - 128)
        k1 = min(_NUM_EMB, j0 + 256)
        ind_b = jax.lax.dot_general(onehot[:, k0:k1], adj_ref[k0:k1, j0:j0 + 128],
                                    (((1,), (0,)), ((), ())),
                                    preferred_element_type=jnp.float32)
        som_num += jnp.sum(dist[:, j0:j0 + 128] * ind_b)
        som_den += jnp.sum(ind_b)
    commit = jnp.sum((q - x) ** 2)

    @pl.when(g == 0)
    def _():
        acc_ref[...] = jnp.zeros_like(acc_ref)

    row_i = jax.lax.broadcasted_iota(jnp.int32, (8, 128), 0)
    lane_i = jax.lax.broadcasted_iota(jnp.int32, (8, 128), 1)
    first = lane_i == 0
    acc_ref[...] += (jnp.where((row_i == 0) & first, commit, 0.0)
                     + jnp.where((row_i == 1) & first, som_num, 0.0)
                     + jnp.where((row_i == 2) & first, som_den, 0.0))


from jax import lax
from jax.experimental.pallas import tpu_sc as plsc

_SC_NW = 32
_SC_ROWS = _N_ROWS // _SC_NW
_SC_CHUNK = 64
_SC_NCHUNK = _SC_ROWS // _SC_CHUNK


@functools.partial(
    pl.kernel,
    out_type=jax.ShapeDtypeStruct((_N_ROWS, _NUM_EMB), jnp.float32),
    mesh=plsc.VectorSubcoreMesh(core_axis_name="c", subcore_axis_name="s"),
    scratch_types=[
        pltpu.VMEM((_SC_CHUNK, _NUM_EMB), jnp.float32),
        pltpu.VMEM((_SC_CHUNK,), jnp.int32),
        pltpu.SemaphoreType.DMA,
    ],
)
def _enc_sc(idx_hbm, eye_hbm, enc_hbm, rows_v, idxv, sem):
    wid = lax.axis_index("s") * 2 + lax.axis_index("c")
    base = wid * _SC_ROWS

    def _chunk(c, _):
        r0 = base + c * _SC_CHUNK
        pltpu.sync_copy(idx_hbm.at[pl.ds(r0, _SC_CHUNK)], idxv)
        pltpu.async_copy(eye_hbm.at[idxv], rows_v, sem).wait()
        pltpu.sync_copy(rows_v, enc_hbm.at[pl.ds(r0, _SC_CHUNK)])
        return ()

    lax.fori_loop(0, _SC_NCHUNK, _chunk, ())


@jax.jit
def kernel(inputs, embedding):
    flat = jnp.transpose(inputs, (0, 2, 3, 4, 1)).reshape(_N_ROWS, _EMB_DIM)
    adj = jnp.asarray(_ADJ_NP, dtype=jnp.bfloat16)
    q, idx2d, acc = pl.pallas_call(
        _body,
        grid=(_GRID,),
        in_specs=[
            pl.BlockSpec((_BLK, _EMB_DIM), lambda g: (g, 0)),
            pl.BlockSpec((_NUM_EMB, _EMB_DIM), lambda g: (0, 0)),
            pl.BlockSpec((_NUM_EMB, _NUM_EMB), lambda g: (0, 0)),
        ],
        out_specs=[
            pl.BlockSpec((_BLK, _EMB_DIM), lambda g: (g, 0)),
            pl.BlockSpec((_BLK, 1), lambda g: (g, 0)),
            pl.BlockSpec((8, 128), lambda g: (0, 0)),
        ],
        out_shape=[
            jax.ShapeDtypeStruct((_N_ROWS, _EMB_DIM), jnp.float32),
            jax.ShapeDtypeStruct((_N_ROWS, 1), jnp.int32),
            jax.ShapeDtypeStruct((8, 128), jnp.float32),
        ],
    )(flat, embedding, adj)
    eye = jnp.asarray(_EYE_NP)
    enc = _enc_sc(idx2d.reshape(_N_ROWS), eye)
    commit_sse = acc[0, 0]
    som_num = acc[1, 0]
    som_den = acc[2, 0]
    loss = _ALPHA * commit_sse / (_N_ROWS * _EMB_DIM) + _BETA * som_num / som_den
    out_q = jnp.transpose(q.reshape(_B, _D, _SOM_H, _SOM_W, _EMB_DIM),
                          (0, 4, 1, 2, 3))
    return (loss, out_q, enc)

# --- scband reference (transcript-rebuilt; emitter-appended) ---
"""Pipeline reference for scband-somquantizer-31688268709992 (READ-ONLY COPY).

The authoritative reference and input builder live on the scoring server;
editing this copy changes nothing except your own understanding.
"""

import jax, jax.numpy as jnp
import numpy as np

SOM_H = 32
SOM_W = 32
NUM_EMB = SOM_H * SOM_W
EMB_DIM = 256
ALPHA = 6.0
BETA = 1.0


def build_adjacency(som_h, som_w):
    K = som_h * som_w
    A = np.zeros((K, K), dtype=np.float32)
    for idx in range(K):
        i, j = divmod(idx, som_w)
        A[idx, idx] = 1.0
        if i - 1 >= 0:
            A[idx, (i - 1) * som_w + j] = 1.0
        if i + 1 < som_h:
            A[idx, (i + 1) * som_w + j] = 1.0
        if j - 1 >= 0:
            A[idx, i * som_w + (j - 1)] = 1.0
        if j + 1 < som_w:
            A[idx, i * som_w + (j + 1)] = 1.0
    return jnp.asarray(A)

ADJ = build_adjacency(SOM_H, SOM_W)


def setup_inputs(seed: int = 0) -> dict:
    key = jax.random.key(seed)
    k1, k2 = jax.random.split(key)
    inputs = jax.random.normal(k1, (2, EMB_DIM, 8, 32, 32), dtype=jnp.float32)
    embedding = jax.random.normal(k2, (NUM_EMB, EMB_DIM), dtype=jnp.float32)
    return {"inputs": inputs, "embedding": embedding}


def reference(inputs, embedding):
    # permute (0, 2, 3, 4, 1): B, C, D, H, W -> B, D, H, W, C
    x = jnp.transpose(inputs, (0, 2, 3, 4, 1))
    input_shape = x.shape
    flat = x.reshape(-1, EMB_DIM)
    flat_d = jax.lax.stop_gradient(flat)
    dist = (jnp.sum(flat_d ** 2, axis=1, keepdims=True)
            + jnp.sum(embedding ** 2, axis=1)
            - 2.0 * jnp.matmul(flat_d, embedding.T))
    encoding_idx = jnp.argmin(dist, axis=1)
    encodings = jax.nn.one_hot(encoding_idx, NUM_EMB, dtype=jnp.float32)
    quantized = jnp.matmul(encodings, embedding).reshape(input_shape)
    commitment_loss = jnp.mean((quantized - x) ** 2)
    # indicator: 1 for the winning node and its grid neighbors
    indicator = jnp.take(ADJ, encoding_idx, axis=0)
    n_neighbors = jnp.sum(indicator, axis=1)
    total_neighbors = jnp.sum(n_neighbors)
    newdist = dist * indicator
    somloss = jnp.sum(newdist) / total_neighbors
    loss = ALPHA * commitment_loss + BETA * somloss
    quantized_st = x + jax.lax.stop_gradient(quantized - x)
    out_q = jnp.transpose(quantized_st, (0, 4, 1, 2, 3))
    return (loss, out_q, encodings)

if __name__ == "__main__":
    import jax
    _d = setup_inputs()
    print(jax.jit(kernel)(*tuple(_d.values())))

</pallas_src>

<mosaic_0001>
#map = affine_map<(d0, d1) -> (0)>
#map1 = affine_map<(d0, d1) -> (0, 0)>
module attributes {stable_mosaic.version = 14 : i64} {
  func.func @_enc_sc(%arg0: i32, %arg1: i32, %arg2: memref<16384xi32, #tpu.memory_space<hbm>>, %arg3: memref<1024x1024xf32, #tpu.memory_space<hbm>>, %arg4: memref<16384x1024xf32, #tpu.memory_space<hbm>>, %arg5: memref<64x1024xf32, #tpu.memory_space<vmem>>, %arg6: memref<64xi32, #tpu.memory_space<vmem>>, %arg7: memref<!tpu.dma_semaphore, #tpu.memory_space<semaphore_mem>>) attributes {dimension_semantics = [#tpu.dimension_semantics<core_parallel>, #tpu.dimension_semantics<subcore_parallel>], iteration_bounds = array<i64: 2, 16>, scalar_prefetch = 0 : i64, scratch_operands = 3 : i64, tpu.core_type = #tpu.core_type<sc_vector_subcore>, window_params = [{transform_indices = #map}, {transform_indices = #map1}, {transform_indices = #map1}]} {
    %mul3A = arith.constant 2 : i32
    %mul3A_0 = arith.muli %arg1, %mul3A : i32
    %add3A = arith.addi %mul3A_0, %arg0 : i32
    %mul3A_1 = arith.constant 512 : i32
    %mul3A_2 = arith.muli %add3A, %mul3A_1 : i32
    %scan3A = arith.constant 0 : i32
    %scan3A_3 = arith.constant 8 : i32
    %scan3A_4 = arith.addi %scan3A, %scan3A_3 : i32
    %scan3A_5 = arith.constant 1 : i32
    scf.for %scan3A_7 = %scan3A to %scan3A_4 step %scan3A_5  : i32 {
      %mul3A_8 = arith.constant 64 : i32
      %mul3A_9 = arith.muli %scan3A_7, %mul3A_8 : i32
      %add3A_10 = arith.addi %mul3A_2, %mul3A_9 : i32
      "tpu.region"() ({
        %run_scoped3A = tpu.sem_alloc : memref<!tpu.dma_semaphore, #tpu.memory_space<semaphore_mem>>
        %dma_start3A_15 = tpu.memref_slice %arg2[%add3A_10] : memref<16384xi32, #tpu.memory_space<hbm>> -> memref<64xi32, #tpu.memory_space<hbm>>
        %dma_start3A_16 = tpu.memref_slice %arg2[%add3A_10] : memref<16384xi32, #tpu.memory_space<hbm>> -> memref<64xi32, #tpu.memory_space<hbm>>
        tpu.enqueue_dma source(%dma_start3A_16 : memref<64xi32, #tpu.memory_space<hbm>>) target(%arg6 : memref<64xi32, #tpu.memory_space<vmem>>) target_semaphore(%run_scoped3A : memref<!tpu.dma_semaphore, #tpu.memory_space<semaphore_mem>>)
        %dma_wait3A_17 = tpu.memref_slice %arg2[%add3A_10] : memref<16384xi32, #tpu.memory_space<hbm>> -> memref<64xi32, #tpu.memory_space<hbm>>
        %dma_wait3A_18 = tpu.memref_slice %arg2[%add3A_10] : memref<16384xi32, #tpu.memory_space<hbm>> -> memref<64xi32, #tpu.memory_space<hbm>>
        tpu.wait_dma2 semaphore(%run_scoped3A : memref<!tpu.dma_semaphore, #tpu.memory_space<semaphore_mem>>) src(%dma_wait3A_18 : memref<64xi32, #tpu.memory_space<hbm>>) dst(%arg6 : memref<64xi32, #tpu.memory_space<vmem>>)
        tpu.yield
      }) : () -> ()
      %dma_start3A = arith.constant 0 : i32
      %dma_start3A_11 = arith.constant 0 : i32
      %dma_start3A_12 = tpu.memref_slice %arg3[%dma_start3A, %dma_start3A_11] : memref<1024x1024xf32, #tpu.memory_space<hbm>> -> memref<1024x1024xf32, #tpu.memory_space<hbm>>
      tpu.enqueue_indirect_dma source(%dma_start3A_12 : memref<1024x1024xf32, #tpu.memory_space<hbm>>) target(%arg5 : memref<64x1024xf32, #tpu.memory_space<vmem>>) offsets(%arg6 : memref<64xi32, #tpu.memory_space<vmem>>) semaphore(%arg7 : memref<!tpu.dma_semaphore, #tpu.memory_space<semaphore_mem>>)
      %dma_wait3A = arith.constant 0 : i32
      %dma_wait3A_13 = arith.constant 0 : i32
      %dma_wait3A_14 = tpu.memref_slice %arg3[%dma_wait3A, %dma_wait3A_13] : memref<1024x1024xf32, #tpu.memory_space<hbm>> -> memref<1024x1024xf32, #tpu.memory_space<hbm>>
      tpu.wait_indirect_dma semaphore(%arg7 : memref<!tpu.dma_semaphore, #tpu.memory_space<semaphore_mem>>) src(%dma_wait3A_14 : memref<1024x1024xf32, #tpu.memory_space<hbm>>) dst(%arg5 : memref<64x1024xf32, #tpu.memory_space<vmem>>)
      "tpu.region"() ({
        %run_scoped3A = tpu.sem_alloc : memref<!tpu.dma_semaphore, #tpu.memory_space<semaphore_mem>>
        %dma_start3A_15 = arith.constant 0 : i32
        %dma_start3A_16 = tpu.memref_slice %arg4[%add3A_10, %dma_start3A_15] : memref<16384x1024xf32, #tpu.memory_space<hbm>> -> memref<64x1024xf32, #tpu.memory_space<hbm>>
        %dma_start3A_17 = arith.constant 0 : i32
        %dma_start3A_18 = tpu.memref_slice %arg4[%add3A_10, %dma_start3A_17] : memref<16384x1024xf32, #tpu.memory_space<hbm>> -> memref<64x1024xf32, #tpu.memory_space<hbm>>
        tpu.enqueue_dma source(%arg5 : memref<64x1024xf32, #tpu.memory_space<vmem>>) target(%dma_start3A_18 : memref<64x1024xf32, #tpu.memory_space<hbm>>) target_semaphore(%run_scoped3A : memref<!tpu.dma_semaphore, #tpu.memory_space<semaphore_mem>>)
        %dma_wait3A_19 = arith.constant 0 : i32
        %dma_wait3A_20 = tpu.memref_slice %arg4[%add3A_10, %dma_wait3A_19] : memref<16384x1024xf32, #tpu.memory_space<hbm>> -> memref<64x1024xf32, #tpu.memory_space<hbm>>
        %dma_wait3A_21 = arith.constant 0 : i32
        %dma_wait3A_22 = tpu.memref_slice %arg4[%add3A_10, %dma_wait3A_21] : memref<16384x1024xf32, #tpu.memory_space<hbm>> -> memref<64x1024xf32, #tpu.memory_space<hbm>>
        tpu.wait_dma2 semaphore(%run_scoped3A : memref<!tpu.dma_semaphore, #tpu.memory_space<semaphore_mem>>) src(%arg5 : memref<64x1024xf32, #tpu.memory_space<vmem>>) dst(%dma_wait3A_22 : memref<64x1024xf32, #tpu.memory_space<hbm>>)
        tpu.yield
      }) : () -> ()
    }
    %scan3A_6 = arith.constant 8 : i32
    return
  }
}

module attributes {stable_mosaic.version = 14 : i64} {
  func.func @_body(%arg0: i32, %arg1: memref<2048x256xf32, #tpu.memory_space<vmem>>, %arg2: memref<1024x256xf32, #tpu.memory_space<vmem>>, %arg3: memref<1024x1024xbf16, #tpu.memory_space<vmem>>, %arg4: memref<2048x256xf32, #tpu.memory_space<vmem>>, %arg5: memref<2048x1xi32, #tpu.memory_space<vmem>>, %arg6: memref<8x128xf32, #tpu.memory_space<vmem>>) attributes {dimension_semantics = [#tpu.dimension_semantics<arbitrary>], iteration_bounds = array<i64: 8>, scalar_prefetch = 0 : i64, scratch_operands = 0 : i64, tpu.core_type = #tpu.core_type<tc>, window_params = [{transform_indices = @transform_0, window_bounds = array<i64: 2048, 256>}, {pipeline_mode = #tpu.pipeline_mode<synchronous>, transform_indices = @transform_1, window_bounds = array<i64: 1024, 256>}, {pipeline_mode = #tpu.pipeline_mode<synchronous>, transform_indices = @transform_2, window_bounds = array<i64: 1024, 1024>}, {transform_indices = @transform_3, window_bounds = array<i64: 2048, 256>}, {transform_indices = @transform_4, window_bounds = array<i64: 2048, 1>}, {pipeline_mode = #tpu.pipeline_mode<synchronous>, transform_indices = @transform_5, window_bounds = array<i64: 8, 128>}]} {
    %get3A = arith.constant 0 : index
    %get3A_0 = arith.constant 0 : index
    %get3A_1 = vector.load %arg1[%get3A, %get3A_0] : memref<2048x256xf32, #tpu.memory_space<vmem>>, vector<2048x256xf32>
    %get3A_2 = arith.constant 0 : index
    %get3A_3 = arith.constant 0 : index
    %get3A_4 = vector.load %arg2[%get3A_2, %get3A_3] : memref<1024x256xf32, #tpu.memory_space<vmem>>, vector<1024x256xf32>
    %convert_element_type3A = arith.truncf %get3A_4 : vector<1024x256xf32> to vector<1024x256xbf16>
    %convert_element_type3A_5 = arith.truncf %get3A_1 : vector<2048x256xf32> to vector<2048x256xbf16>
    %dot_general3A = arith.constant dense<0.000000e+00> : vector<2048x1024xf32>
    %dot_general3A_6 = tpu.matmul %convert_element_type3A_5, %convert_element_type3A, %dot_general3A {dimension_numbers = #tpu.dot_dimension_numbers<[1], [1], [0], [0], [0, 0, 1, 0], [], []>, transpose_lhs_hint = false} : vector<2048x256xbf16>, vector<1024x256xbf16>, vector<2048x1024xf32> -> vector<2048x1024xf32>
    %mul3A = arith.mulf %get3A_1, %get3A_1 : vector<2048x256xf32>
    %reduce_sum3A = arith.constant dense<0.000000e+00> : vector<2048xf32>
    %reduce_sum3A_7 = vector.multi_reduction <add>, %mul3A, %reduce_sum3A [1] : vector<2048x256xf32> to vector<2048xf32>
    %broadcast_in_dim3A = vector.shape_cast %reduce_sum3A_7 : vector<2048xf32> to vector<2048x1xf32>
    %mul3A_8 = arith.mulf %get3A_4, %get3A_4 : vector<1024x256xf32>
    %reduce_sum3A_9 = arith.constant dense<0.000000e+00> : vector<1024xf32>
    %reduce_sum3A_10 = vector.multi_reduction <add>, %mul3A_8, %reduce_sum3A_9 [1] : vector<1024x256xf32> to vector<1024xf32>
    %reshape3A = vector.shape_cast %reduce_sum3A_10 : vector<1024xf32> to vector<1x1024xf32>
    %add3A = vector.broadcast %broadcast_in_dim3A : vector<2048x1xf32> to vector<2048x1024xf32>
    %add3A_11 = vector.broadcast %reshape3A : vector<1x1024xf32> to vector<2048x1024xf32>
    %add3A_12 = arith.addf %add3A, %add3A_11 : vector<2048x1024xf32>
    %mul3A_13 = arith.constant 2.000000e+00 : f32
    %mul3A_14 = vector.broadcast %mul3A_13 : f32 to vector<2048x1024xf32>
    %mul3A_15 = arith.mulf %mul3A_14, %dot_general3A_6 : vector<2048x1024xf32>
    %sub3A = arith.subf %add3A_12, %mul3A_15 : vector<2048x1024xf32>
    %reduce_min3A = arith.constant dense<0x7F800000> : vector<2048xf32>
    %reduce_min3A_16 = vector.multi_reduction <minimumf>, %sub3A, %reduce_min3A [1] : vector<2048x1024xf32> to vector<2048xf32>
    %broadcast_in_dim3A_17 = vector.shape_cast %reduce_min3A_16 : vector<2048xf32> to vector<2048x1xf32>
    %iota3A = tpu.iota {dimensions = array<i32: 1>} : vector<2048x1024xi32>
    %eq3A = vector.broadcast %broadcast_in_dim3A_17 : vector<2048x1xf32> to vector<2048x1024xf32>
    %eq3A_18 = arith.cmpf oeq, %sub3A, %eq3A : vector<2048x1024xf32>
    %jit3A = arith.constant 1024 : i32
    %broadcast_in_dim3A_19 = vector.broadcast %jit3A : i32 to vector<2048x1024xi32>
    %select_n3A = arith.select %eq3A_18, %iota3A, %broadcast_in_dim3A_19 : vector<2048x1024xi1>, vector<2048x1024xi32>
    %reduce_min3A_20 = arith.constant dense<2147483647> : vector<2048xi32>
    %reduce_min3A_21 = vector.multi_reduction <minsi>, %select_n3A, %reduce_min3A_20 [1] : vector<2048x1024xi32> to vector<2048xi32>
    %broadcast_in_dim3A_22 = vector.shape_cast %reduce_min3A_21 : vector<2048xi32> to vector<2048x1xi32>
    %eq3A_23 = vector.broadcast %broadcast_in_dim3A_22 : vector<2048x1xi32> to vector<2048x1024xi32>
    %eq3A_24 = arith.cmpi eq, %iota3A, %eq3A_23 : vector<2048x1024xi32>
    %convert_element_type3A_25 = arith.extui %eq3A_24 : vector<2048x1024xi1> to vector<2048x1024xi32>
    %convert_element_type3A_26 = arith.sitofp %convert_element_type3A_25 : vector<2048x1024xi32> to vector<2048x1024xf32>
    %convert_element_type3A_27 = arith.truncf %convert_element_type3A_26 : vector<2048x1024xf32> to vector<2048x1024xbf16>
    %swap3A = arith.constant 0 : index
    %swap3A_28 = arith.constant 0 : index
    %swap3A_29 = vector.load %arg5[%swap3A, %swap3A_28] : memref<2048x1xi32, #tpu.memory_space<vmem>>, vector<2048x1xi32>
    tpu.vector_store %arg5[%swap3A, %swap3A_28], %broadcast_in_dim3A_22 {strides = array<i32>} : memref<2048x1xi32, #tpu.memory_space<vmem>>, vector<2048x1xi32>,
    %dot_general3A_30 = arith.constant dense<0.000000e+00> : vector<2048x256xf32>
    %dot_general3A_31 = tpu.matmul %convert_element_type3A_27, %convert_element_type3A, %dot_general3A_30 {dimension_numbers = #tpu.dot_dimension_numbers<[1], [0], [0], [1], [0, 0, 1, 1], [], []>, transpose_lhs_hint = false} : vector<2048x1024xbf16>, vector<1024x256xbf16>, vector<2048x256xf32> -> vector<2048x256xf32>
    %swap3A_32 = arith.constant 0 : index
    %swap3A_33 = arith.constant 0 : index
    %swap3A_34 = vector.load %arg4[%swap3A_32, %swap3A_33] : memref<2048x256xf32, #tpu.memory_space<vmem>>, vector<2048x256xf32>
    tpu.vector_store %arg4[%swap3A_32, %swap3A_33], %dot_general3A_31 {strides = array<i32>} : memref<2048x256xf32, #tpu.memory_space<vmem>>, vector<2048x256xf32>,
    %slice3A = vector.extract_strided_slice %convert_element_type3A_27 {offsets = [0, 0], sizes = [2048, 256], strides = [1, 1]} : vector<2048x1024xbf16> to vector<2048x256xbf16>
    %get3A_35 = arith.constant 0 : index
    %get3A_36 = arith.constant 0 : index
    %get3A_37 = vector.load %arg3[%get3A_35, %get3A_36] : memref<1024x1024xbf16, #tpu.memory_space<vmem>>, vector<256x128xbf16>
    %dot_general3A_38 = arith.constant dense<0.000000e+00> : vector<2048x128xf32>
    %dot_general3A_39 = tpu.matmul %slice3A, %get3A_37, %dot_general3A_38 {dimension_numbers = #tpu.dot_dimension_numbers<[1], [0], [0], [1], [0, 0, 1, 1], [], []>, transpose_lhs_hint = false} : vector<2048x256xbf16>, vector<256x128xbf16>, vector<2048x128xf32> -> vector<2048x128xf32>
    %slice3A_40 = vector.extract_strided_slice %sub3A {offsets = [0, 0], sizes = [2048, 128], strides = [1, 1]} : vector<2048x1024xf32> to vector<2048x128xf32>
    %mul3A_41 = arith.mulf %slice3A_40, %dot_general3A_39 : vector<2048x128xf32>
    %reduce_sum3A_42 = vector.shape_cast %mul3A_41 : vector<2048x128xf32> to vector<1x2048x128xf32>
    %reduce_sum3A_43 = arith.constant dense<0.000000e+00> : vector<1xf32>
    %reduce_sum3A_44 = vector.multi_reduction <add>, %reduce_sum3A_42, %reduce_sum3A_43 [1, 2] : vector<1x2048x128xf32> to vector<1xf32>
    %reduce_sum3A_45 = vector.shape_cast %reduce_sum3A_44 : vector<1xf32> to vector<1x1x1xf32>
    %reduce_sum3A_46 = vector.extract %reduce_sum3A_45[0, 0, 0] : f32 from vector<1x1x1xf32>
    %add3A_47 = arith.constant 0.000000e+00 : f32
    %add3A_48 = arith.addf %add3A_47, %reduce_sum3A_46 : f32
    %reduce_sum3A_49 = vector.shape_cast %dot_general3A_39 : vector<2048x128xf32> to vector<1x2048x128xf32>
    %reduce_sum3A_50 = arith.constant dense<0.000000e+00> : vector<1xf32>
    %reduce_sum3A_51 = vector.multi_reduction <add>, %reduce_sum3A_49, %reduce_sum3A_50 [1, 2] : vector<1x2048x128xf32> to vector<1xf32>
    %reduce_sum3A_52 = vector.shape_cast %reduce_sum3A_51 : vector<1xf32> to vector<1x1x1xf32>
    %reduce_sum3A_53 = vector.extract %reduce_sum3A_52[0, 0, 0] : f32 from vector<1x1x1xf32>
    %add3A_54 = arith.constant 0.000000e+00 : f32
    %add3A_55 = arith.addf %add3A_54, %reduce_sum3A_53 : f32
    %slice3A_56 = vector.extract_strided_slice %convert_element_type3A_27 {offsets = [0, 0], sizes = [2048, 384], strides = [1, 1]} : vector<2048x1024xbf16> to vector<2048x384xbf16>
    %get3A_57 = arith.constant 0 : index
    %get3A_58 = arith.constant 128 : index
    %get3A_59 = vector.load %arg3[%get3A_57, %get3A_58] : memref<1024x1024xbf16, #tpu.memory_space<vmem>>, vector<384x128xbf16>
    %dot_general3A_60 = arith.constant dense<0.000000e+00> : vector<2048x128xf32>
    %dot_general3A_61 = tpu.matmul %slice3A_56, %get3A_59, %dot_general3A_60 {dimension_numbers = #tpu.dot_dimension_numbers<[1], [0], [0], [1], [0, 0, 1, 1], [], []>, transpose_lhs_hint = false} : vector<2048x384xbf16>, vector<384x128xbf16>, vector<2048x128xf32> -> vector<2048x128xf32>
    %slice3A_62 = vector.extract_strided_slice %sub3A {offsets = [0, 128], sizes = [2048, 128], strides = [1, 1]} : vector<2048x1024xf32> to vector<2048x128xf32>
    %mul3A_63 = arith.mulf %slice3A_62, %dot_general3A_61 : vector<2048x128xf32>
    %reduce_sum3A_64 = vector.shape_cast %mul3A_63 : vector<2048x128xf32> to vector<1x2048x128xf32>
    %reduce_sum3A_65 = arith.constant dense<0.000000e+00> : vector<1xf32>
    %reduce_sum3A_66 = vector.multi_reduction <add>, %reduce_sum3A_64, %reduce_sum3A_65 [1, 2] : vector<1x2048x128xf32> to vector<1xf32>
    %reduce_sum3A_67 = vector.shape_cast %reduce_sum3A_66 : vector<1xf32> to vector<1x1x1xf32>
    %reduce_sum3A_68 = vector.extract %reduce_sum3A_67[0, 0, 0] : f32 from vector<1x1x1xf32>
    %add3A_69 = arith.addf %add3A_48, %reduce_sum3A_68 : f32
    %reduce_sum3A_70 = vector.shape_cast %dot_general3A_61 : vector<2048x128xf32> to vector<1x2048x128xf32>
    %reduce_sum3A_71 = arith.constant dense<0.000000e+00> : vector<1xf32>
    %reduce_sum3A_72 = vector.multi_reduction <add>, %reduce_sum3A_70, %reduce_sum3A_71 [1, 2] : vector<1x2048x128xf32> to vector<1xf32>
    %reduce_sum3A_73 = vector.shape_cast %reduce_sum3A_72 : vector<1xf32> to vector<1x1x1xf32>
    %reduce_sum3A_74 = vector.extract %reduce_sum3A_73[0, 0, 0] : f32 from vector<1x1x1xf32>
    %add3A_75 = arith.addf %add3A_55, %reduce_sum3A_74 : f32
    %slice3A_76 = vector.extract_strided_slice %convert_element_type3A_27 {offsets = [0, 128], sizes = [2048, 384], strides = [1, 1]} : vector<2048x1024xbf16> to vector<2048x384xbf16>
    %get3A_77 = arith.constant 128 : index
    %get3A_78 = arith.constant 256 : index
    %get3A_79 = vector.load %arg3[%get3A_77, %get3A_78] : memref<1024x1024xbf16, #tpu.memory_space<vmem>>, vector<384x128xbf16>
    %dot_general3A_80 = arith.constant dense<0.000000e+00> : vector<2048x128xf32>
    %dot_general3A_81 = tpu.matmul %slice3A_76, %get3A_79, %dot_general3A_80 {dimension_numbers = #tpu.dot_dimension_numbers<[1], [0], [0], [1], [0, 0, 1, 1], [], []>, transpose_lhs_hint = false} : vector<2048x384xbf16>, vector<384x128xbf16>, vector<2048x128xf32> -> vector<2048x128xf32>
    %slice3A_82 = vector.extract_strided_slice %sub3A {offsets = [0, 256], sizes = [2048, 128], strides = [1, 1]} : vector<2048x1024xf32> to vector<2048x128xf32>
    %mul3A_83 = arith.mulf %slice3A_82, %dot_general3A_81 : vector<2048x128xf32>
    %reduce_sum3A_84 = vector.shape_cast %mul3A_83 : vector<2048x128xf32> to vector<1x2048x128xf32>
    %reduce_sum3A_85 = arith.constant dense<0.000000e+00> : vector<1xf32>
    %reduce_sum3A_86 = vector.multi_reduction <add>, %reduce_sum3A_84, %reduce_sum3A_85 [1, 2] : vector<1x2048x128xf32> to vector<1xf32>
    %reduce_sum3A_87 = vector.shape_cast %reduce_sum3A_86 : vector<1xf32> to vector<1x1x1xf32>
    %reduce_sum3A_88 = vector.extract %reduce_sum3A_87[0, 0, 0] : f32 from vector<1x1x1xf32>
    %add3A_89 = arith.addf %add3A_69, %reduce_sum3A_88 : f32
    %reduce_sum3A_90 = vector.shape_cast %dot_general3A_81 : vector<2048x128xf32> to vector<1x2048x128xf32>
    %reduce_sum3A_91 = arith.constant dense<0.000000e+00> : vector<1xf32>
    %reduce_sum3A_92 = vector.multi_reduction <add>, %reduce_sum3A_90, %reduce_sum3A_91 [1, 2] : vector<1x2048x128xf32> to vector<1xf32>
    %reduce_sum3A_93 = vector.shape_cast %reduce_sum3A_92 : vector<1xf32> to vector<1x1x1xf32>
    %reduce_sum3A_94 = vector.extract %reduce_sum3A_93[0, 0, 0] : f32 from vector<1x1x1xf32>
    %add3A_95 = arith.addf %add3A_75, %reduce_sum3A_94 : f32
    %slice3A_96 = vector.extract_strided_slice %convert_element_type3A_27 {offsets = [0, 256], sizes = [2048, 384], strides = [1, 1]} : vector<2048x1024xbf16> to vector<2048x384xbf16>
    %get3A_97 = arith.constant 256 : index
    %get3A_98 = arith.constant 384 : index
    %get3A_99 = vector.load %arg3[%get3A_97, %get3A_98] : memref<1024x1024xbf16, #tpu.memory_space<vmem>>, vector<384x128xbf16>
    %dot_general3A_100 = arith.constant dense<0.000000e+00> : vector<2048x128xf32>
    %dot_general3A_101 = tpu.matmul %slice3A_96, %get3A_99, %dot_general3A_100 {dimension_numbers = #tpu.dot_dimension_numbers<[1], [0], [0], [1], [0, 0, 1, 1], [], []>, transpose_lhs_hint = false} : vector<2048x384xbf16>, vector<384x128xbf16>, vector<2048x128xf32> -> vector<2048x128xf32>
    %slice3A_102 = vector.extract_strided_slice %sub3A {offsets = [0, 384], sizes = [2048, 128], strides = [1, 1]} : vector<2048x1024xf32> to vector<2048x128xf32>
    %mul3A_103 = arith.mulf %slice3A_102, %dot_general3A_101 : vector<2048x128xf32>
    %reduce_sum3A_104 = vector.shape_cast %mul3A_103 : vector<2048x128xf32> to vector<1x2048x128xf32>
    %reduce_sum3A_105 = arith.constant dense<0.000000e+00> : vector<1xf32>
    %reduce_sum3A_106 = vector.multi_reduction <add>, %reduce_sum3A_104, %reduce_sum3A_105 [1, 2] : vector<1x2048x128xf32> to vector<1xf32>
    %reduce_sum3A_107 = vector.shape_cast %reduce_sum3A_106 : vector<1xf32> to vector<1x1x1xf32>
    %reduce_sum3A_108 = vector.extract %reduce_sum3A_107[0, 0, 0] : f32 from vector<1x1x1xf32>
    %add3A_109 = arith.addf %add3A_89, %reduce_sum3A_108 : f32
    %reduce_sum3A_110 = vector.shape_cast %dot_general3A_101 : vector<2048x128xf32> to vector<1x2048x128xf32>
    %reduce_sum3A_111 = arith.constant dense<0.000000e+00> : vector<1xf32>
    %reduce_sum3A_112 = vector.multi_reduction <add>, %reduce_sum3A_110, %reduce_sum3A_111 [1, 2] : vector<1x2048x128xf32> to vector<1xf32>
    %reduce_sum3A_113 = vector.shape_cast %reduce_sum3A_112 : vector<1xf32> to vector<1x1x1xf32>
    %reduce_sum3A_114 = vector.extract %reduce_sum3A_113[0, 0, 0] : f32 from vector<1x1x1xf32>
    %add3A_115 = arith.addf %add3A_95, %reduce_sum3A_114 : f32
    %slice3A_116 = vector.extract_strided_slice %convert_element_type3A_27 {offsets = [0, 384], sizes = [2048, 384], strides = [1, 1]} : vector<2048x1024xbf16> to vector<2048x384xbf16>
    %get3A_117 = arith.constant 384 : index
    %get3A_118 = arith.constant 512 : index
    %get3A_119 = vector.load %arg3[%get3A_117, %get3A_118] : memref<1024x1024xbf16, #tpu.memory_space<vmem>>, vector<384x128xbf16>
    %dot_general3A_120 = arith.constant dense<0.000000e+00> : vector<2048x128xf32>
    %dot_general3A_121 = tpu.matmul %slice3A_116, %get3A_119, %dot_general3A_120 {dimension_numbers = #tpu.dot_dimension_numbers<[1], [0], [0], [1], [0, 0, 1, 1], [], []>, transpose_lhs_hint = false} : vector<2048x384xbf16>, vector<384x128xbf16>, vector<2048x128xf32> -> vector<2048x128xf32>
    %slice3A_122 = vector.extract_strided_slice %sub3A {offsets = [0, 512], sizes = [2048, 128], strides = [1, 1]} : vector<2048x1024xf32> to vector<2048x128xf32>
    %mul3A_123 = arith.mulf %slice3A_122, %dot_general3A_121 : vector<2048x128xf32>
    %reduce_sum3A_124 = vector.shape_cast %mul3A_123 : vector<2048x128xf32> to vector<1x2048x128xf32>
    %reduce_sum3A_125 = arith.constant dense<0.000000e+00> : vector<1xf32>
    %reduce_sum3A_126 = vector.multi_reduction <add>, %reduce_sum3A_124, %reduce_sum3A_125 [1, 2] : vector<1x2048x128xf32> to vector<1xf32>
    %reduce_sum3A_127 = vector.shape_cast %reduce_sum3A_126 : vector<1xf32> to vector<1x1x1xf32>
    %reduce_sum3A_128 = vector.extract %reduce_sum3A_127[0, 0, 0] : f32 from vector<1x1x1xf32>
    %add3A_129 = arith.addf %add3A_109, %reduce_sum3A_128 : f32
    %reduce_sum3A_130 = vector.shape_cast %dot_general3A_121 : vector<2048x128xf32> to vector<1x2048x128xf32>
    %reduce_sum3A_131 = arith.constant dense<0.000000e+00> : vector<1xf32>
    %reduce_sum3A_132 = vector.multi_reduction <add>, %reduce_sum3A_130, %reduce_sum3A_131 [1, 2] : vector<1x2048x128xf32> to vector<1xf32>
    %reduce_sum3A_133 = vector.shape_cast %reduce_sum3A_132 : vector<1xf32> to vector<1x1x1xf32>
    %reduce_sum3A_134 = vector.extract %reduce_sum3A_133[0, 0, 0] : f32 from vector<1x1x1xf32>
    %add3A_135 = arith.addf %add3A_115, %reduce_sum3A_134 : f32
    %slice3A_136 = vector.extract_strided_slice %convert_element_type3A_27 {offsets = [0, 512], sizes = [2048, 384], strides = [1, 1]} : vector<2048x1024xbf16> to vector<2048x384xbf16>
    %get3A_137 = arith.constant 512 : index
    %get3A_138 = arith.constant 640 : index
    %get3A_139 = vector.load %arg3[%get3A_137, %get3A_138] : memref<1024x1024xbf16, #tpu.memory_space<vmem>>, vector<384x128xbf16>
    %dot_general3A_140 = arith.constant dense<0.000000e+00> : vector<2048x128xf32>
    %dot_general3A_141 = tpu.matmul %slice3A_136, %get3A_139, %dot_general3A_140 {dimension_numbers = #tpu.dot_dimension_numbers<[1], [0], [0], [1], [0, 0, 1, 1], [], []>, transpose_lhs_hint = false} : vector<2048x384xbf16>, vector<384x128xbf16>, vector<2048x128xf32> -> vector<2048x128xf32>
    %slice3A_142 = vector.extract_strided_slice %sub3A {offsets = [0, 640], sizes = [2048, 128], strides = [1, 1]} : vector<2048x1024xf32> to vector<2048x128xf32>
    %mul3A_143 = arith.mulf %slice3A_142, %dot_general3A_141 : vector<2048x128xf32>
    %reduce_sum3A_144 = vector.shape_cast %mul3A_143 : vector<2048x128xf32> to vector<1x2048x128xf32>
    %reduce_sum3A_145 = arith.constant dense<0.000000e+00> : vector<1xf32>
    %reduce_sum3A_146 = vector.multi_reduction <add>, %reduce_sum3A_144, %reduce_sum3A_145 [1, 2] : vector<1x2048x128xf32> to vector<1xf32>
    %reduce_sum3A_147 = vector.shape_cast %reduce_sum3A_146 : vector<1xf32> to vector<1x1x1xf32>
    %reduce_sum3A_148 = vector.extract %reduce_sum3A_147[0, 0, 0] : f32 from vector<1x1x1xf32>
    %add3A_149 = arith.addf %add3A_129, %reduce_sum3A_148 : f32
    %reduce_sum3A_150 = vector.shape_cast %dot_general3A_141 : vector<2048x128xf32> to vector<1x2048x128xf32>
    %reduce_sum3A_151 = arith.constant dense<0.000000e+00> : vector<1xf32>
    %reduce_sum3A_152 = vector.multi_reduction <add>, %reduce_sum3A_150, %reduce_sum3A_151 [1, 2] : vector<1x2048x128xf32> to vector<1xf32>
    %reduce_sum3A_153 = vector.shape_cast %reduce_sum3A_152 : vector<1xf32> to vector<1x1x1xf32>
    %reduce_sum3A_154 = vector.extract %reduce_sum3A_153[0, 0, 0] : f32 from vector<1x1x1xf32>
    %add3A_155 = arith.addf %add3A_135, %reduce_sum3A_154 : f32
    %slice3A_156 = vector.extract_strided_slice %convert_element_type3A_27 {offsets = [0, 640], sizes = [2048, 384], strides = [1, 1]} : vector<2048x1024xbf16> to vector<2048x384xbf16>
    %get3A_157 = arith.constant 640 : index
    %get3A_158 = arith.constant 768 : index
    %get3A_159 = vector.load %arg3[%get3A_157, %get3A_158] : memref<1024x1024xbf16, #tpu.memory_space<vmem>>, vector<384x128xbf16>
    %dot_general3A_160 = arith.constant dense<0.000000e+00> : vector<2048x128xf32>
    %dot_general3A_161 = tpu.matmul %slice3A_156, %get3A_159, %dot_general3A_160 {dimension_numbers = #tpu.dot_dimension_numbers<[1], [0], [0], [1], [0, 0, 1, 1], [], []>, transpose_lhs_hint = false} : vector<2048x384xbf16>, vector<384x128xbf16>, vector<2048x128xf32> -> vector<2048x128xf32>
    %slice3A_162 = vector.extract_strided_slice %sub3A {offsets = [0, 768], sizes = [2048, 128], strides = [1, 1]} : vector<2048x1024xf32> to vector<2048x128xf32>
    %mul3A_163 = arith.mulf %slice3A_162, %dot_general3A_161 : vector<2048x128xf32>
    %reduce_sum3A_164 = vector.shape_cast %mul3A_163 : vector<2048x128xf32> to vector<1x2048x128xf32>
    %reduce_sum3A_165 = arith.constant dense<0.000000e+00> : vector<1xf32>
    %reduce_sum3A_166 = vector.multi_reduction <add>, %reduce_sum3A_164, %reduce_sum3A_165 [1, 2] : vector<1x2048x128xf32> to vector<1xf32>
    %reduce_sum3A_167 = vector.shape_cast %reduce_sum3A_166 : vector<1xf32> to vector<1x1x1xf32>
    %reduce_sum3A_168 = vector.extract %reduce_sum3A_167[0, 0, 0] : f32 from vector<1x1x1xf32>
    %add3A_169 = arith.addf %add3A_149, %reduce_sum3A_168 : f32
    %reduce_sum3A_170 = vector.shape_cast %dot_general3A_161 : vector<2048x128xf32> to vector<1x2048x128xf32>
    %reduce_sum3A_171 = arith.constant dense<0.000000e+00> : vector<1xf32>
    %reduce_sum3A_172 = vector.multi_reduction <add>, %reduce_sum3A_170, %reduce_sum3A_171 [1, 2] : vector<1x2048x128xf32> to vector<1xf32>
    %reduce_sum3A_173 = vector.shape_cast %reduce_sum3A_172 : vector<1xf32> to vector<1x1x1xf32>
    %reduce_sum3A_174 = vector.extract %reduce_sum3A_173[0, 0, 0] : f32 from vector<1x1x1xf32>
    %add3A_175 = arith.addf %add3A_155, %reduce_sum3A_174 : f32
    %slice3A_176 = vector.extract_strided_slice %convert_element_type3A_27 {offsets = [0, 768], sizes = [2048, 256], strides = [1, 1]} : vector<2048x1024xbf16> to vector<2048x256xbf16>
    %get3A_177 = arith.constant 768 : index
    %get3A_178 = arith.constant 896 : index
    %get3A_179 = vector.load %arg3[%get3A_177, %get3A_178] : memref<1024x1024xbf16, #tpu.memory_space<vmem>>, vector<256x128xbf16>
    %dot_general3A_180 = arith.constant dense<0.000000e+00> : vector<2048x128xf32>
    %dot_general3A_181 = tpu.matmul %slice3A_176, %get3A_179, %dot_general3A_180 {dimension_numbers = #tpu.dot_dimension_numbers<[1], [0], [0], [1], [0, 0, 1, 1], [], []>, transpose_lhs_hint = false} : vector<2048x256xbf16>, vector<256x128xbf16>, vector<2048x128xf32> -> vector<2048x128xf32>
    %slice3A_182 = vector.extract_strided_slice %sub3A {offsets = [0, 896], sizes = [2048, 128], strides = [1, 1]} : vector<2048x1024xf32> to vector<2048x128xf32>
    %mul3A_183 = arith.mulf %slice3A_182, %dot_general3A_181 : vector<2048x128xf32>
    %reduce_sum3A_184 = vector.shape_cast %mul3A_183 : vector<2048x128xf32> to vector<1x2048x128xf32>
    %reduce_sum3A_185 = arith.constant dense<0.000000e+00> : vector<1xf32>
    %reduce_sum3A_186 = vector.multi_reduction <add>, %reduce_sum3A_184, %reduce_sum3A_185 [1, 2] : vector<1x2048x128xf32> to vector<1xf32>
    %reduce_sum3A_187 = vector.shape_cast %reduce_sum3A_186 : vector<1xf32> to vector<1x1x1xf32>
    %reduce_sum3A_188 = vector.extract %reduce_sum3A_187[0, 0, 0] : f32 from vector<1x1x1xf32>
    %add3A_189 = arith.addf %add3A_169, %reduce_sum3A_188 : f32
    %reduce_sum3A_190 = vector.shape_cast %dot_general3A_181 : vector<2048x128xf32> to vector<1x2048x128xf32>
    %reduce_sum3A_191 = arith.constant dense<0.000000e+00> : vector<1xf32>
    %reduce_sum3A_192 = vector.multi_reduction <add>, %reduce_sum3A_190, %reduce_sum3A_191 [1, 2] : vector<1x2048x128xf32> to vector<1xf32>
    %reduce_sum3A_193 = vector.shape_cast %reduce_sum3A_192 : vector<1xf32> to vector<1x1x1xf32>
    %reduce_sum3A_194 = vector.extract %reduce_sum3A_193[0, 0, 0] : f32 from vector<1x1x1xf32>
    %add3A_195 = arith.addf %add3A_175, %reduce_sum3A_194 : f32
    %sub3A_196 = arith.subf %dot_general3A_31, %get3A_1 : vector<2048x256xf32>
    %integer_pow3A = arith.mulf %sub3A_196, %sub3A_196 : vector<2048x256xf32>
    %reduce_sum3A_197 = vector.shape_cast %integer_pow3A : vector<2048x256xf32> to vector<1x2048x256xf32>
    %reduce_sum3A_198 = arith.constant dense<0.000000e+00> : vector<1xf32>
    %reduce_sum3A_199 = vector.multi_reduction <add>, %reduce_sum3A_197, %reduce_sum3A_198 [1, 2] : vector<1x2048x256xf32> to vector<1xf32>
    %reduce_sum3A_200 = vector.shape_cast %reduce_sum3A_199 : vector<1xf32> to vector<1x1x1xf32>
    %reduce_sum3A_201 = vector.extract %reduce_sum3A_200[0, 0, 0] : f32 from vector<1x1x1xf32>
    %eq3A_202 = arith.constant 0 : i32
    %eq3A_203 = arith.cmpi eq, %arg0, %eq3A_202 : i32
    %convert_element_type3A_204 = arith.extui %eq3A_203 : i1 to i32
    %cond3A = arith.constant 0 : i32
    %cond3A_205 = arith.cmpi ne, %convert_element_type3A_204, %cond3A : i32
    scf.if %cond3A_205 {
      %broadcast_in_dim3A_243 = arith.constant 0.000000e+00 : f32
      %broadcast_in_dim3A_244 = vector.broadcast %broadcast_in_dim3A_243 : f32 to vector<8x128xf32>
      %swap3A_245 = arith.constant 0 : index
      %swap3A_246 = arith.constant 0 : index
      %swap3A_247 = vector.load %arg6[%swap3A_245, %swap3A_246] : memref<8x128xf32, #tpu.memory_space<vmem>>, vector<8x128xf32>
      tpu.vector_store %arg6[%swap3A_245, %swap3A_246], %broadcast_in_dim3A_244 {strides = array<i32>} : memref<8x128xf32, #tpu.memory_space<vmem>>, vector<8x128xf32>,
    } else {
    }
    %iota3A_206 = tpu.iota {dimensions = array<i32: 0>} : vector<8x128xi32>
    %iota3A_207 = tpu.iota {dimensions = array<i32: 1>} : vector<8x128xi32>
    %eq3A_208 = arith.constant 0 : i32
    %eq3A_209 = vector.broadcast %eq3A_208 : i32 to vector<8x128xi32>
    %eq3A_210 = arith.cmpi eq, %iota3A_207, %eq3A_209 : vector<8x128xi32>
    %get3A_211 = arith.constant 0 : index
    %get3A_212 = arith.constant 0 : index
    %get3A_213 = vector.load %arg6[%get3A_211, %get3A_212] : memref<8x128xf32, #tpu.memory_space<vmem>>, vector<8x128xf32>
    %eq3A_214 = arith.constant 0 : i32
    %eq3A_215 = vector.broadcast %eq3A_214 : i32 to vector<8x128xi32>
    %eq3A_216 = arith.cmpi eq, %iota3A_206, %eq3A_215 : vector<8x128xi32>
    %and3A = arith.andi %eq3A_216, %eq3A_210 : vector<8x128xi1>
    %jit3A_217 = arith.constant 0.000000e+00 : f32
    %broadcast_in_dim3A_218 = vector.broadcast %reduce_sum3A_201 : f32 to vector<8x128xf32>
    %broadcast_in_dim3A_219 = vector.broadcast %jit3A_217 : f32 to vector<8x128xf32>
    %select_n3A_220 = arith.select %and3A, %broadcast_in_dim3A_218, %broadcast_in_dim3A_219 : vector<8x128xi1>, vector<8x128xf32>
    %eq3A_221 = arith.constant 1 : i32
    %eq3A_222 = vector.broadcast %eq3A_221 : i32 to vector<8x128xi32>
    %eq3A_223 = arith.cmpi eq, %iota3A_206, %eq3A_222 : vector<8x128xi32>
    %and3A_224 = arith.andi %eq3A_223, %eq3A_210 : vector<8x128xi1>
    %jit3A_225 = arith.constant 0.000000e+00 : f32
    %broadcast_in_dim3A_226 = vector.broadcast %add3A_189 : f32 to vector<8x128xf32>
    %broadcast_in_dim3A_227 = vector.broadcast %jit3A_225 : f32 to vector<8x128xf32>
    %select_n3A_228 = arith.select %and3A_224, %broadcast_in_dim3A_226, %broadcast_in_dim3A_227 : vector<8x128xi1>, vector<8x128xf32>
    %add3A_229 = arith.addf %select_n3A_220, %select_n3A_228 : vector<8x128xf32>
    %eq3A_230 = arith.constant 2 : i32
    %eq3A_231 = vector.broadcast %eq3A_230 : i32 to vector<8x128xi32>
    %eq3A_232 = arith.cmpi eq, %iota3A_206, %eq3A_231 : vector<8x128xi32>
    %and3A_233 = arith.andi %eq3A_232, %eq3A_210 : vector<8x128xi1>
    %jit3A_234 = arith.constant 0.000000e+00 : f32
    %broadcast_in_dim3A_235 = vector.broadcast %add3A_195 : f32 to vector<8x128xf32>
    %broadcast_in_dim3A_236 = vector.broadcast %jit3A_234 : f32 to vector<8x128xf32>
    %select_n3A_237 = arith.select %and3A_233, %broadcast_in_dim3A_235, %broadcast_in_dim3A_236 : vector<8x128xi1>, vector<8x128xf32>
    %add3A_238 = arith.addf %add3A_229, %select_n3A_237 : vector<8x128xf32>
    %add3A_239 = arith.addf %get3A_213, %add3A_238 : vector<8x128xf32>
    %swap3A_240 = arith.constant 0 : index
    %swap3A_241 = arith.constant 0 : index
    %swap3A_242 = vector.load %arg6[%swap3A_240, %swap3A_241] : memref<8x128xf32, #tpu.memory_space<vmem>>, vector<8x128xf32>
    tpu.vector_store %arg6[%swap3A_240, %swap3A_241], %add3A_239 {strides = array<i32>} : memref<8x128xf32, #tpu.memory_space<vmem>>, vector<8x128xf32>,
    return
  }
  func.func @transform_0(%arg0: i32) -> (i32, i32) {
    %c0_i32 = arith.constant 0 : i32
    %c0_i32_0 = arith.constant 0 : i32
    return %arg0, %c0_i32 : i32, i32
  }
  func.func @transform_1(%arg0: i32) -> (i32, i32) {
    %c0_i32 = arith.constant 0 : i32
    %c0_i32_0 = arith.constant 0 : i32
    %c0_i32_1 = arith.constant 0 : i32
    return %c0_i32, %c0_i32_0 : i32, i32
  }
  func.func @transform_2(%arg0: i32) -> (i32, i32) {
    %c0_i32 = arith.constant 0 : i32
    %c0_i32_0 = arith.constant 0 : i32
    %c0_i32_1 = arith.constant 0 : i32
    return %c0_i32, %c0_i32_0 : i32, i32
  }
  func.func @transform_3(%arg0: i32) -> (i32, i32) {
    %c0_i32 = arith.constant 0 : i32
    %c0_i32_0 = arith.constant 0 : i32
    return %arg0, %c0_i32 : i32, i32
  }
  func.func @transform_4(%arg0: i32) -> (i32, i32) {
    %c0_i32 = arith.constant 0 : i32
    %c0_i32_0 = arith.constant 0 : i32
    return %arg0, %c0_i32 : i32, i32
  }
  func.func @transform_5(%arg0: i32) -> (i32, i32) {
    %c0_i32 = arith.constant 0 : i32
    %c0_i32_0 = arith.constant 0 : i32
    %c0_i32_1 = arith.constant 0 : i32
    return %c0_i32, %c0_i32_0 : i32, i32
  }
}

</mosaic_0001>

<sc_bundles>
// kernel: kernel.4.cloned.1.call-start
scs
__scs_entry_jumppad:
0x0: {  	(pc) =	sbr.rel $0x88, $3  }
0x1: {  	(tag) =	ssettag $0x0;
	lr =	simm.s32 $0x1  }
0x2: {  	[smem:$0x3F9F] =	sst lr;
	_ =	strace $0xD0000000  }
0x3: {  	_ = 	snop  }
0x4: {  	_ = 	snop  }
0x5: {  	_ = 	snop  }
0x6: {  	_ = 	snop  }
0x7: {  	_ = 	snop  }
__scs_overlays_trampoline_lowered:
0x8: {  	[smem:$0x3FAE] =	sst s0  }
0x9: {  	[smem:$0x3FAF] =	sst s1  }
0xa: {  	[smem:$0x3FB0] =	sst s2  }
0xb: {  	[smem:$0x3FB1] =	sst s3  }
0xc: {  	[smem:$0x3FB2] =	sst s4  }
0xd: {  	[smem:$0x3FB3] =	sst s5  }
0xe: {  	[smem:$0x3FB4] =	sst s6  }
0xf: {  	[smem:$0x3FB5] =	sst s7  }
0x10: {  	[smem:$0x3FB6] =	sst s8  }
0x11: {  	[smem:$0x3FB7] =	sst s9;
	s0 =	simm.s32 @!p0 $0x0  }
0x12: {  	s1 =	sld [smem:$0x3F9D];
	s0 =	simm.s32 @p0 $0x1  }
0x13: {  	[smem:$0x3FB8] =	sst s0;
	s0 =	simm.s32 @!p1 $0x0  }
0x14: {  	s2 =	sld [smem:$0x3F9C];
	s0 =	simm.s32 @p1 $0x1  }
0x15: {  	[smem:$0x3FB9] =	sst s0;
	s0 =	simm.s32 @!p2 $0x0  }
0x16: {  	s3 =	sld [smem:$0x3FDB];
	s0 =	simm.s32 @p2 $0x1  }
0x17: {  	s4 =	simm.s32 $0x1BF5;
	[smem:$0x3FBB] =	sst s0  }
0x18: {  	s0 =	sld [smem:$0x3F9E];
	_ =	swait.ge [sflag:s4], $0x0  }
0x19: {  	s7 =	sld [smem:$0x3F9F]  }
0x1a: {  	s8 =	sadd.s32 $0xFFFFE003, lr  }
0x1b: {  	s9 =	sadd.s32 $0xFFFFFEF7, lr;
	s5 =	simm.s32 $0xFFFFFFFF;
	p2 =	slt.u32 s8, $0xFFFFF086  }
0x1c: {  	p1 =	slt.u32 s9, $0xF7A;
	s5 =	simm.s32 @!p2 $0x0  }
0x1d: {  	s5 =	simm.s32 @p1 $0x1;
	p0 =	seq.s32 s7, s2  }
0x1e: {  	s7 =	smul.u32 @!p0 $0xF7A, s2;
	p2 =	seq.s32 @!p0 s5, $0x0  }
0x1f: {  	s9 =	smul.u32 $0xF7A, s1;
	s8 =	simm.s32 @!p0 $0x1BF5;
	p2 =	por !p2, p0  }
0x20: {  	[sflag:s8] =	ssyncset.s32 @!p0 $0xFFFFF086;
	s6 =	sadd.s32 @!p0 s3, s7;
	s7 =	simm.s32 @!p0 $0x108  }
0x21: {  	s3 =	sadd.s32 s3, s9;
	s6 =	sadd.s32 @!p0 $0x88, s6;
	s7 =	simm.s32 @p2 $0x1082  }
0x22: {  	[simem:s7], [sflag:s8] =	dma.local @!p0 [hbm:s6], $0xF7A  }
0x23: {  	s9 =	sor.u32 $0xD0000000, s2;
	s6 =	simm.s32 $0x108;
	_ =	swait.ge @!p0 [sflag:s8], $0x0  }
0x24: {  	s3 =	sadd.s32 $0x88, s3;
	s6 =	simm.s32 @!p1 $0x1082;
	[sflag:s4] =	ssyncset.s32 $0xFFFFF086  }
0x25: {  	[simem:s6], [sflag:s4] =	dma.local [hbm:s3], $0xF7A  }
0x26: {  	[smem:$0x3F9F] =	sst s1;
	(tag) =	ssettag s2;
	_ =	strace s9  }
0x27: {  	s1 =	sld [smem:$0x3FAF]  }
0x28: {  	s2 =	sld [smem:$0x3FB0]  }
0x29: {  	s4 =	sld [smem:$0x3FB2]  }
0x2a: {  	p0 =	seq.s32 s5, $0x0;
	s5 =	sld [smem:$0x3FB3]  }
0x2b: {  	s6 =	sld [smem:$0x3FB4]  }
0x2c: {  	s7 =	sld [smem:$0x3FB5]  }
0x2d: {  	s3 =	simm.s32 $0x108;
	s8 =	sld [smem:$0x3FB6]  }
0x2e: {  	s3 =	simm.s32 @!p0 $0x1082;
	s9 =	sld [smem:$0x3FB7]  }
0x2f: {  	lr =	sadd.s32 s0, s3;
	s0 =	sld [smem:$0x3FAE]  }
0x30: {  	s3 =	sld [smem:$0x3FB1]  }
0x31: {  	[smem:$0x3FBA] =	sst s10  }
0x32: {  	s10 =	sld [smem:$0x3FB8];
	_ =	sdelay $0x3  }
0x33: {  	p0 =	seq.s32 s10, $0x1;
	s10 =	sld [smem:$0x3FBA];
	_ =	sdelay $0x3  }
0x34: {  	[smem:$0x3FBA] =	sst s10  }
0x35: {  	s10 =	sld [smem:$0x3FB9];
	_ =	sdelay $0x3  }
0x36: {  	p1 =	seq.s32 s10, $0x1;
	s10 =	sld [smem:$0x3FBA];
	_ =	sdelay $0x3  }
0x37: {  	[smem:$0x3FBA] =	sst s10  }
0x38: {  	s10 =	sld [smem:$0x3FBB]  }
0x39: {  	_ = 	snop;
	(pc) =	sbr.ind lr, $3  }
0x3a: {  	_ = 	snop  }
0x3b: {  	_ = 	snop  }
0x3c: {  	p2 =	seq.s32 s10, $0x1;
	s10 =	sld [smem:$0x3FBA]  }
0x3d: {  	_ =	shalt  }
0x3e: {  	_ =	shalt  }
0x3f: {  	_ =	shalt  }
0x40: {  	_ =	shalt  }
0x41: {  	_ =	shalt  }
0x42: {  	_ =	shalt  }
0x43: {  	_ =	shalt  }
0x44: {  	_ =	shalt  }
0x45: {  	_ =	shalt  }
0x46: {  	_ =	shalt  }
0x47: {  	_ =	shalt  }
0x48: {  	_ =	shalt  }
0x49: {  	_ =	shalt  }
0x4a: {  	_ =	shalt  }
0x4b: {  	_ =	shalt  }
0x4c: {  	_ =	shalt  }
0x4d: {  	_ =	shalt  }
0x4e: {  	_ =	shalt  }
0x4f: {  	_ =	shalt  }
0x50: {  	_ =	shalt  }
0x51: {  	_ =	shalt  }
0x52: {  	_ =	shalt  }
0x53: {  	_ =	shalt  }
0x54: {  	_ =	shalt  }
0x55: {  	_ =	shalt  }
0x56: {  	_ =	shalt  }
0x57: {  	_ =	shalt  }
0x58: {  	_ =	shalt  }
0x59: {  	_ =	shalt  }
0x5a: {  	_ =	shalt  }
0x5b: {  	_ =	shalt  }
0x5c: {  	_ =	shalt  }
0x5d: {  	_ =	shalt  }
0x5e: {  	_ =	shalt  }
0x5f: {  	_ =	shalt  }
0x60: {  	_ =	shalt  }
0x61: {  	_ =	shalt  }
0x62: {  	_ =	shalt  }
0x63: {  	_ =	shalt  }
0x64: {  	_ =	shalt  }
0x65: {  	_ =	shalt  }
0x66: {  	_ =	shalt  }
0x67: {  	_ =	shalt  }
0x68: {  	_ =	shalt  }
0x69: {  	_ =	shalt  }
0x6a: {  	_ =	shalt  }
0x6b: {  	_ =	shalt  }
0x6c: {  	_ =	shalt  }
0x6d: {  	_ =	shalt  }
0x6e: {  	_ =	shalt  }
0x6f: {  	_ =	shalt  }
0x70: {  	_ =	shalt  }
0x71: {  	_ =	shalt  }
0x72: {  	_ =	shalt  }
0x73: {  	_ =	shalt  }
0x74: {  	_ =	shalt  }
0x75: {  	_ =	shalt  }
0x76: {  	_ =	shalt  }
0x77: {  	_ =	shalt  }
0x78: {  	_ =	shalt  }
0x79: {  	_ =	shalt  }
0x7a: {  	_ =	shalt  }
0x7b: {  	_ =	shalt  }
0x7c: {  	_ =	shalt  }
0x7d: {  	_ =	shalt  }
0x7e: {  	_ =	shalt  }
0x7f: {  	_ =	shalt  }
0x80: {  	_ =	shalt  }
0x81: {  	_ =	shalt  }
0x82: {  	_ =	shalt  }
0x83: {  	_ =	shalt  }
0x84: {  	_ =	shalt  }
0x85: {  	_ =	shalt  }
0x86: {  	_ =	shalt  }
0x87: {  	_ =	shalt  }
.Lfunc_end0:
.L_simem_size_0:
called_computation_lowered:
.L_overlay_start_0:
0x88: {  	s2 =	sld [smem:$0x3FD9]  }
0x89: {  	s3 =	sld [smem:$0x3FFE];
	_ =	sdelay $0x1  }
0x8a: {  	s1 =	srdreg.scid  }
0x8b: {  	s0 =	sand.u32 $0x1, s1  }
0x8c: {  	s14 =	sshll.u32 s0, $0xA;
	s2 =	sadd.s32 s3, s2  }
0x8d: {  	s2 =	sadd.s32 s2, s14  }
0x8e: {  	[smem:$0x3FC6] =	sst s2  }
0x8f: {  	_ = 	snop  }
0x90: {  	s2 =	sld [smem:$0x3FD0];
	_ =	sdelay $0x2  }
0x91: {  	s15 =	simm.s32 $0xA;
	s4 =	simm.s32 $0x10  }
0x92: {  	[smem:s4], [sflag:s15] =	dma.local [hbm:s2], $0x1  }
0x93: {  	_ =	swait.eq [sflag:s15], $0x1  }
0x94: {  	[sflag:s15] =	ssyncset.done $0x0  }
0x95: {  	[sflag:s15] =	ssyncadd.s32 $0xFFFFFFFF  }
0x96: {  	s16 =	sld [smem:$0x12];
	(tm) =	ssettm $0x1  }
0x97: {  	s17 =	sld [smem:$0x3FFB];
	_ =	sdelay $0x3  }
0x98: {  	_ =	strace s17  }
0x99: {  	s3 =	sld [smem:$0x3FFC];
	_ =	sdelay $0x3  }
0x9a: {  	_ =	strace s3  }
0x9b: {  	s3 =	sld [smem:$0x3FFD];
	_ =	sdelay $0x3  }
0x9c: {  	_ =	strace s3  }
0x9d: {  	_ =	strace $0x8FFFFFFF  }
0x9e: {  	s18 =	sld [smem:$0x3FDB];
	_ =	sdelay $0x1  }
0x9f: {  	s19 =	simm.s32 $_scs_section_size  }
0xa0: {  	s5 =	simm.s32 $_size__tile_overlayer_lowered;
	s6 =	simm.s32 $_tile_overlayer_lowered  }
0xa1: {  	s22 =	simm.s32 $0x1BFF;
	s21 =	sshll.u32 s6, $0x1;
	s3 =	sadd.s32 s19, s18  }
0xa2: {  	s7 =	simm.s32 $0x0;
	s20 =	sshll.u32 s5, $0x1;
	s5 =	sadd.s32 s21, s3  }
0xa3: {  	[timem:s7], [sflag:s22] =	dma.local [hbm:s5], s20  }
0xa4: {  	_ =	swait.ge [sflag:s22], s20  }
0xa5: {  	s4 =	ssub.s32 $0x0, s20;
	[sflag:s22] =	ssyncset.done $0x0  }
0xa6: {  	[sflag:s22] =	ssyncadd.s32 s4;
	_ =	sdelay $0x1  }
0xa7: {  	s23 =	simm.s32 $0x1B8B  }
0xa8: {  	_ =	swait.ge [sflag:s23], $0x1  }
0xa9: {  	[sflag:s23] =	ssyncset.done $0x0  }
0xaa: {  	s25 =	simm.s32 $0x1B8E;
	s24 =	sld [smem:$0x3FFE];
	[sflag:s23] =	ssyncadd.s32 $0xFFFFFFFF  }
0xab: {  	s26 =	simm.s32 $execute0_lowered;
	[smem:$0x3FD2] =	sst s25  }
0xac: {  	s5 =	sshll.u32 s26, $0x1;
	_ =	strace $0x80000046;
	[dreg:$0x1] =	wrdreg $0xFFFFFFFF  }
0xad: {  	s28 =	simm.s32 $_size_execute0_lowered;
	s3 =	sadd.s32 s3, s5;
	[dreg:$0x0] =	wrdreg $0x0  }
0xae: {  	s5 =	sshll.u32 s28, $0x1;
	[dreg:$0x2] =	wrdreg s3  }
0xaf: {  	[dreg:$0x3] =	wrdreg s5  }
0xb0: {  	[dreg:$0x4] =	wrdreg $0xC0  }
0xb1: {  	_ =	task [dreg:s7], $0x5FFFF  }
0xb2: {  	[dreg:$0x1] =	wrdreg $0xFFFFFFFF  }
0xb3: {  	[dreg:$0x0] =	wrdreg $0x60  }
0xb4: {  	[dreg:$0x2] =	wrdreg s24  }
0xb5: {  	[dreg:$0x3] =	wrdreg s16  }
0xb6: {  	[dreg:$0x4] =	wrdreg $0x9  }
0xb7: {  	_ =	task.clear_ibuf [dreg:s7], $0x5FFFF;
	_ =	strace $0x90000046  }
0xb8: {  	s29 =	simm.s32 $0x9;
	_ =	strace $0x80000048  }
0xb9: {  	_ =	swait.ge [sflag:s29], $0x1  }
0xba: {  	[sflag:s29] =	ssyncadd.s32 $0xFFFFFFFF  }
0xbb: {  	_ =	strace $0x90000048  }
0xbc: {  	_ =	sfence  }
0xbd: {  	s30 =	sld [smem:$0x0];
	_ =	sdelay $0x2  }
0xbe: {  	s31 =	sshll.u32 s1, $0xD;
	s1 =	sshrl.u32 s1, $0x2  }
0xbf: {  	s3 =	sand.u32 $0x4000, s31;
	s1 =	sadd.s32 s1, s30  }
0xc0: {  	s0 =	sor.u32 s3, s0;
	s1 =	sshll.u32 s1, $0x11  }
0xc1: {  	s0 =	sor.u32 s1, s0  }
0xc2: {  	s0 =	sadd.s32 $0x8F2B, s0  }
0xc3: {  	[sflag:s0] =	ssyncadd.remote.s32 $0x1  }
0xc4: {  	_ =	sfence.sel $0xFFFF  }
0xc5: {  	[dreg:$0x0] =	wrdreg $0xFFFFFFFF;
	(pc) =	sbr.abs _section_cstart, $3  }
0xc6: {  	[dreg:$0x1] =	wrdreg $0xFFFFFFFF  }
0xc7: {  	_ =	task.clear_ibuf [dreg:s7], $0x2FFFF;
	_ =	strace $0x9FFFFFFF  }
0xc8: {  	(tm) =	ssettm $0x7FFFFFFF  }
0xc9: {  	_ =	shalt  }
tec
execute0_lowered:
.L_overlay_start_1:
0x0: {  	(tag) =	ssettag $0x1  }
0x1: {  	s0 =	srdreg.scid;
	s1 =	rddreg [dreg:$0x0]  }
0x2: {  	s10 =	stileid.u32;
	s8 =	rddreg [dreg:$0x1];
	s15 =	simm.s32 $0x10000  }
0x3: {  	s4 =	simm.s32 $0x800;
	s16 =	simm.s32 $0x1000;
	s17 =	simm.s32 $0x1800  }
0x4: {  	s18 =	simm.s32 $0x2000;
	s19 =	simm.s32 $0x2800;
	s0 =	sand.u32 $0x1, s0  }
0x5: {  	s20 =	simm.s32 $0x3000;
	s2 =	sshll.u32 s10, $0xA;
	s3 =	sshll.u32 s0, $0x9  }
0x6: {  	s9 =	simm.s32 $0x3800;
	s3 =	sor.u32 s3, s2;
	s2 =	simm.s32 $0x0  }
0x7: {  	s21 =	simm.s32 $0x4000;
	s22 =	simm.s32 $0x4800;
	[smem:$0x7FF] =	sst s2  }
0x8: {  	s24 =	simm.s32 $0x5000;
	_ =	strace $0x80000047;
	[dreg:$0x4] =	wrdreg s15  }
0x9: {  	s25 =	simm.s32 $0x5800;
	s26 =	simm.s32 $0x6000;
	[dreg:$0x5] =	wrdreg s4  }
0xa: {  	s11 =	simm.s32 $0x7000;
	s12 =	simm.s32 $0x7800;
	[dreg:$0x6] =	wrdreg s16  }
0xb: {  	s13 =	simm.s32 $0x8000;
	s14 =	simm.s32 $0x8800;
	[dreg:$0x7] =	wrdreg s17  }
0xc: {  	s28 =	simm.s32 $0xF000;
	s29 =	simm.s32 $0xF800;
	[dreg:$0x8] =	wrdreg s18  }
0xd: {  	s30 =	simm.s32 $0x1;
	s31 =	simm.s32 $0x0;
	[dreg:$0x9] =	wrdreg s19  }
0xe: {  	s23 =	sshll.u32 s10, $0x11;
	s10 =	simm.s32 $0x6800;
	[dreg:$0xa] =	wrdreg s20  }
0xf: {  	s5 =	ssub.s32 $0x2, s0;
	s8 =	sadd.s32 s23, s8;
	[dreg:$0xb] =	wrdreg s9  }
0x10: {  	s0 =	sshll.u32 s0, $0x10;
	s23 =	simm.s32 $0xD000;
	[dreg:$0xc] =	wrdreg s21  }
0x11: {  	s6 =	sshrl.u32 s5, $0x1;
	s0 =	sadd.s32 s0, s8;
	[dreg:$0xd] =	wrdreg s22  }
0x12: {  	s3 =	sshrl.u32 s3, $0x3;
	s7 =	ssub.s32 s5, s6;
	[dreg:$0xe] =	wrdreg s24  }
0x13: {  	s5 =	sadd.s32 $0x1200, s1;
	s6 =	sadd.s32 $0x1300, s1;
	[dreg:$0xf] =	wrdreg s25  }
0x14: {  	s3 =	sadd.s32 s3, s1;
	s4 =	sadd.s32 $0x1100, s1;
	[dreg:$0x12] =	wrdreg s0  }
0x15: {  	s7 =	smax.u32 s7, $0x1;
	s9 =	simm.s32 $0x2;
	[dreg:$0x10] =	wrdreg s26  }
0x16: {  	s15 =	simm.s32 $0x9000;
	s16 =	simm.s32 $0x9800;
	s17 =	simm.s32 $0xA000  }
0x17: {  	s18 =	simm.s32 $0xA800;
	s19 =	simm.s32 $0xB000;
	s20 =	simm.s32 $0xB800  }
0x18: {  	v2 =	vlaneseq.u32;
	s21 =	simm.s32 $0xC000;
	s22 =	simm.s32 $0xC800;
	s24 =	simm.s32 $0xD800  }
0x19: {  	vm0 =	vmmov $0xffff;
	v1 =	vshrl.u32 v2, $0x3;
	s25 =	simm.s32 $0xE000;
	s3 =	sadd.s32 $0x800, s3;
	[dreg:$0x11] =	wrdreg s7  }
0x1a: {  	v0 =	vand.u32 $0x7, v2;
	v2 =	vor.u32 $0x8, v2;
	v1 =	vmul.u32 $0x8, v1;
	s26 =	simm.s32 $0xE800;
	[dreg:$0x3] =	wrdreg s3;
	s3 =	sadd.s32 $0x1000, s1  }
.LBB2_1:
0x1b: {  	s8 =	rddreg [dreg:$0x12];
	s0 =	simm.s32 $0x0  }
.LBB2_2:
0x1c: {  	s7 =	rddreg [dreg:$0x3]  }
0x1d: {  	s1 =	rddreg [dreg:$0x4];
	s7 =	sadd.s32 s0, s7  }
0x1e: {  	[tilespmem:s1], [sflag:$0x2] =	stream.linear.gather [hbm4b:s7+s2], $0x40, $0x38;
	[tilespmem:$0x10080] =	vst v63  }
0x1f: {  	_ =	swait.ge [sflag:s9], $0x40  }
0x20: {  	[sflag:s9] =	ssyncset.done $0x0  }
0x21: {  	[sflag:s9] =	ssyncadd.s32 $0xFFFFFFC0  }
0x22: {  	v3 =	vld [tilespmem:$0x10000];
	_ =	sdelay $0x4  }
0x23: {  	v4 =	vshll.u32 v3, $0x3  }
0x24: {  	v3 =	vand.u32 $0x7, v3;
	v4 =	vand.u32 $0xFFFFFFC0, v4  }
0x25: {  	v3 =	vor.u32 v3, v4  }
0x26: {  	v4 =	vperm.xlane v3, v0;
	_ =	sdelay $0x1  }
0x27: {  	v4 =	vadd.s32 v1, v4;
	_ =	sdelay $0x4  }
0x28: {  	[tilespmem:s2], [sflag:$0x1] =	stream.indirect_vreg.gather [hbm4b:s3+s2], $0x80, v4, vm0, $0xb8;
	[tilespmem:$0x10080] =	vst v63  }
0x29: {  	s1 =	rddreg [dreg:$0x5];
	v3 =	vperm.xlane v3, v2  }
0x2a: {  	[tilespmem:s1], [sflag:$0x1] =	stream.indirect_vreg.gather [hbm4b:s4+s2], $0x80, v4, vm0, $0xb8;
	[tilespmem:$0x10080] =	vst v63  }
0x2b: {  	s7 =	rddreg [dreg:$0x6];
	v3 =	vadd.s32 v1, v3  }
0x2c: {  	[tilespmem:s7], [sflag:$0x1] =	stream.indirect_vreg.gather [hbm4b:s5+s2], $0x80, v4, vm0, $0xb8;
	[tilespmem:$0x10080] =	vst v63  }
0x2d: {  	s1 =	rddreg [dreg:$0x7]  }
0x2e: {  	[tilespmem:s1], [sflag:$0x1] =	stream.indirect_vreg.gather [hbm4b:s6+s2], $0x80, v4, vm0, $0xb8;
	[tilespmem:$0x10080] =	vst v63  }
0x2f: {  	s7 =	rddreg [dreg:$0x8]  }
0x30: {  	[tilespmem:s7], [sflag:$0x1] =	stream.indirect_vreg.gather [hbm4b:s3+s2], $0x80, v3, vm0, $0xb8;
	[tilespmem:$0x10080] =	vst v63  }
0x31: {  	s1 =	rddreg [dreg:$0x9]  }
0x32: {  	[tilespmem:s1], [sflag:$0x1] =	stream.indirect_vreg.gather [hbm4b:s4+s2], $0x80, v3, vm0, $0xb8;
	[tilespmem:$0x10080] =	vst v63  }
0x33: {  	s7 =	rddreg [dreg:$0xa]  }
0x34: {  	[tilespmem:s7], [sflag:$0x1] =	stream.indirect_vreg.gather [hbm4b:s5+s2], $0x80, v3, vm0, $0xb8;
	[tilespmem:$0x10080] =	vst v63  }
0x35: {  	s1 =	rddreg [dreg:$0xb]  }
0x36: {  	[tilespmem:s1], [sflag:$0x1] =	stream.indirect_vreg.gather [hbm4b:s6+s2], $0x80, v3, vm0, $0xb8;
	[tilespmem:$0x10080] =	vst v63  }
0x37: {  	v3 =	vld [tilespmem:$0x10010];
	_ =	sdelay $0x4  }
0x38: {  	v61 =	vshll.u32 v3, $0x3  }
0x39: {  	v3 =	vand.u32 $0x7, v3;
	v4 =	vand.u32 $0xFFFFFFC0, v61  }
0x3a: {  	v3 =	vor.u32 v3, v4  }
0x3b: {  	v4 =	vperm.xlane v3, v0;
	_ =	sdelay $0x1  }
0x3c: {  	v4 =	vadd.s32 v1, v4;
	_ =	sdelay $0x3  }
0x3d: {  	s1 =	rddreg [dreg:$0xc]  }
0x3e: {  	[tilespmem:s1], [sflag:$0x1] =	stream.indirect_vreg.gather [hbm4b:s3+s2], $0x80, v4, vm0, $0xb8;
	[tilespmem:$0x10080] =	vst v63  }
0x3f: {  	s7 =	rddreg [dreg:$0xd];
	v3 =	vperm.xlane v3, v2  }
0x40: {  	[tilespmem:s7], [sflag:$0x1] =	stream.indirect_vreg.gather [hbm4b:s4+s2], $0x80, v4, vm0, $0xb8;
	[tilespmem:$0x10080] =	vst v63  }
0x41: {  	v3 =	vadd.s32 v1, v3;
	s1 =	rddreg [dreg:$0xe]  }
0x42: {  	[tilespmem:s1], [sflag:$0x1] =	stream.indirect_vreg.gather [hbm4b:s5+s2], $0x80, v4, vm0, $0xb8;
	[tilespmem:$0x10080] =	vst v63  }
0x43: {  	s7 =	rddreg [dreg:$0xf]  }
0x44: {  	[tilespmem:s7], [sflag:$0x1] =	stream.indirect_vreg.gather [hbm4b:s6+s2], $0x80, v4, vm0, $0xb8;
	[tilespmem:$0x10080] =	vst v63  }
0x45: {  	s1 =	rddreg [dreg:$0x10]  }
0x46: {  	[tilespmem:s1], [sflag:$0x1] =	stream.indirect_vreg.gather [hbm4b:s3+s2], $0x80, v3, vm0, $0xb8;
	[tilespmem:$0x10080] =	vst v63  }
0x47: {  	_ = 	snop  }
0x48: {  	[tilespmem:s10], [sflag:$0x1] =	stream.indirect_vreg.gather [hbm4b:s4+s2], $0x80, v3, vm0, $0xb8;
	[tilespmem:$0x10080] =	vst v63  }
0x49: {  	_ = 	snop  }
0x4a: {  	[tilespmem:s11], [sflag:$0x1] =	stream.indirect_vreg.gather [hbm4b:s5+s2], $0x80, v3, vm0, $0xb8;
	[tilespmem:$0x10080] =	vst v63  }
0x4b: {  	_ = 	snop  }
0x4c: {  	[tilespmem:s12], [sflag:$0x1] =	stream.indirect_vreg.gather [hbm4b:s6+s2], $0x80, v3, vm0, $0xb8;
	[tilespmem:$0x10080] =	vst v63  }
0x4d: {  	v3 =	vld [tilespmem:$0x10020];
	_ =	sdelay $0x4  }
0x4e: {  	v62 =	vshll.u32 v3, $0x3  }
0x4f: {  	v3 =	vand.u32 $0x7, v3;
	v4 =	vand.u32 $0xFFFFFFC0, v62  }
0x50: {  	v3 =	vor.u32 v3, v4  }
0x51: {  	v4 =	vperm.xlane v3, v0;
	_ =	sdelay $0x1  }
0x52: {  	v4 =	vadd.s32 v1, v4;
	_ =	sdelay $0x4  }
0x53: {  	[tilespmem:s13], [sflag:$0x1] =	stream.indirect_vreg.gather [hbm4b:s3+s2], $0x80, v4, vm0, $0xb8;
	[tilespmem:$0x10080] =	vst v63  }
0x54: {  	v3 =	vperm.xlane v3, v2  }
0x55: {  	[tilespmem:s14], [sflag:$0x1] =	stream.indirect_vreg.gather [hbm4b:s4+s2], $0x80, v4, vm0, $0xb8;
	[tilespmem:$0x10080] =	vst v63  }
0x56: {  	v3 =	vadd.s32 v1, v3  }
0x57: {  	[tilespmem:s15], [sflag:$0x1] =	stream.indirect_vreg.gather [hbm4b:s5+s2], $0x80, v4, vm0, $0xb8;
	[tilespmem:$0x10080] =	vst v63  }
0x58: {  	_ = 	snop  }
0x59: {  	[tilespmem:s16], [sflag:$0x1] =	stream.indirect_vreg.gather [hbm4b:s6+s2], $0x80, v4, vm0, $0xb8;
	[tilespmem:$0x10080] =	vst v63  }
0x5a: {  	_ = 	snop  }
0x5b: {  	[tilespmem:s17], [sflag:$0x1] =	stream.indirect_vreg.gather [hbm4b:s3+s2], $0x80, v3, vm0, $0xb8;
	[tilespmem:$0x10080] =	vst v63  }
0x5c: {  	_ = 	snop  }
0x5d: {  	[tilespmem:s18], [sflag:$0x1] =	stream.indirect_vreg.gather [hbm4b:s4+s2], $0x80, v3, vm0, $0xb8;
	[tilespmem:$0x10080] =	vst v63  }
0x5e: {  	_ = 	snop  }
0x5f: {  	[tilespmem:s19], [sflag:$0x1] =	stream.indirect_vreg.gather [hbm4b:s5+s2], $0x80, v3, vm0, $0xb8;
	[tilespmem:$0x10080] =	vst v63  }
0x60: {  	_ = 	snop  }
0x61: {  	[tilespmem:s20], [sflag:$0x1] =	stream.indirect_vreg.gather [hbm4b:s6+s2], $0x80, v3, vm0, $0xb8;
	[tilespmem:$0x10080] =	vst v63  }
0x62: {  	v3 =	vld [tilespmem:$0x10030];
	_ =	sdelay $0x4  }
0x63: {  	v63 =	vshll.u32 v3, $0x3  }
0x64: {  	v3 =	vand.u32 $0x7, v3;
	v4 =	vand.u32 $0xFFFFFFC0, v63  }
0x65: {  	v3 =	vor.u32 v3, v4  }
0x66: {  	v4 =	vperm.xlane v3, v0;
	_ =	sdelay $0x1  }
0x67: {  	v4 =	vadd.s32 v1, v4;
	_ =	sdelay $0x4  }
0x68: {  	[tilespmem:s21], [sflag:$0x1] =	stream.indirect_vreg.gather [hbm4b:s3+s2], $0x80, v4, vm0, $0xb8;
	[tilespmem:$0x10080] =	vst v63  }
0x69: {  	v3 =	vperm.xlane v3, v2  }
0x6a: {  	[tilespmem:s22], [sflag:$0x1] =	stream.indirect_vreg.gather [hbm4b:s4+s2], $0x80, v4, vm0, $0xb8;
	[tilespmem:$0x10080] =	vst v63  }
0x6b: {  	v3 =	vadd.s32 v1, v3  }
0x6c: {  	[tilespmem:s23], [sflag:$0x1] =	stream.indirect_vreg.gather [hbm4b:s5+s2], $0x80, v4, vm0, $0xb8;
	[tilespmem:$0x10080] =	vst v63  }
0x6d: {  	_ = 	snop  }
0x6e: {  	[tilespmem:s24], [sflag:$0x1] =	stream.indirect_vreg.gather [hbm4b:s6+s2], $0x80, v4, vm0, $0xb8;
	[tilespmem:$0x10080] =	vst v63  }
0x6f: {  	_ = 	snop  }
0x70: {  	[tilespmem:s25], [sflag:$0x1] =	stream.indirect_vreg.gather [hbm4b:s3+s2], $0x80, v3, vm0, $0xb8;
	[tilespmem:$0x10080] =	vst v63  }
0x71: {  	_ = 	snop  }
0x72: {  	[tilespmem:s26], [sflag:$0x1] =	stream.indirect_vreg.gather [hbm4b:s4+s2], $0x80, v3, vm0, $0xb8;
	[tilespmem:$0x10080] =	vst v63  }
0x73: {  	_ = 	snop  }
0x74: {  	[tilespmem:s28], [sflag:$0x1] =	stream.indirect_vreg.gather [hbm4b:s5+s2], $0x80, v3, vm0, $0xb8;
	[tilespmem:$0x10080] =	vst v63  }
0x75: {  	_ = 	snop  }
0x76: {  	[tilespmem:s29], [sflag:$0x1] =	stream.indirect_vreg.gather [hbm4b:s6+s2], $0x80, v3, vm0, $0xb8;
	[tilespmem:$0x10080] =	vst v63  }
0x77: {  	_ =	swait.ge [sflag:s30], $0x10000  }
0x78: {  	p0 =	sne.s32 s0, $0x38;
	[sflag:s30] =	ssyncset.done $0x0  }
.Ltmp0:
0x79: {  	[sflag:s30] =	ssyncadd.s32 $0xFFFF0000;
	(pc) =	sbr.rel @p0 .LBB2_2-.Ltmp0, $4  }
0x7a: {  	[hbm4b:s8+s2] =	stream.linear.scatter [tilespmem:s2], [sflag:$0x2], $0x10000, $0x38;
	[tilespmem:$0x10080] =	vst v63  }
0x7b: {  	_ =	swait.ge [sflag:s9], $0x10000  }
0x7c: {  	[sflag:s9] =	ssyncset.done $0x0  }
0x7d: {  	s0 =	sadd.s32 $0x8, s0;
	s8 =	sadd.s32 $0x2000, s8;
	[sflag:s9] =	ssyncadd.s32 $0xFFFF0000  }
0x7e: {  	s31 =	sadd.s32 $0x1, s31;
	s0 =	rddreg [dreg:$0x11]  }
0x7f: {  	p0 =	sne.s32 s31, s0  }
.Ltmp1:
0x80: {  	_ = 	snop;
	(pc) =	sbr.rel @p0 .LBB2_1-.Ltmp1, $1  }
0x81: {  	_ =	sdelay $0x3  }
0x82: {  	_ =	sfence.sel $0x180000  }
0x83: {  	[bflag:$0x0] =	sbarrier.arrive $0xFFFF  }
0x84: {  	_ =	strace $0x90000047  }
0x85: {  	s0 =	stileid.u32;
	[bflag:$0x2] =	sbarrier.arrive $0xFFFF  }
0x86: {  	p0 =	sne.s32 s0, $0x0;
	s0 =	rddreg [dreg:$0x2]  }
0x87: {  	s0 =	sadd.s32 @!p0 $0x100000, s0  }
0x88: {  	[sflag:s0] =	ssyncadd.tile.s32 @!p0 $0x1;
	_ =	shalt  }
.Lfunc_end2:
_tile_overlayer_lowered:
.L_overlay_start_2:
0x89: {  	(tag) =	ssettag $0x2  }
0x8a: {  	s0 =	rddreg [dreg:$0x0];
	s2 =	stileid.u32  }
0x8b: {  	s1 =	rddreg [dreg:$0x1];
	p0 =	sne.s32 s2, $0x0  }
0x8c: {  	s3 =	rddreg [dreg:$0x2];
	[bflag:$0x3] =	sbarrier.arrive $0xFFFF;
	s2 =	simm.s32 @!p0 $0x1C02  }
0x8d: {  	[timem:s3], [sflag:s2] =	dma.local @!p0 [hbm:s0], s1  }
0x8e: {  	s0 =	simm.s32 @!p0 $0x2  }
0x8f: {  	_ =	swait.ge @!p0 [sflag:s0], s1  }
0x90: {  	s1 =	ssub.s32 @!p0 $0x0, s1;
	[sflag:s0] =	ssyncset.done @!p0 $0x0  }
0x91: {  	[sflag:s0] =	ssyncadd.s32 @!p0 s1  }
0x92: {  	[bflag:$0x3] =	sbarrier.arrive $0xFFFF  }
0x93: {  	_ =	shalt  }

</sc_bundles>
